<compile_context>
chip_gen: v7x
topology: tpu7x:2x2x1
jax: 0.10.2.dev20260603
libtpu: 0.0.44.dev20260713+nightly
codegen_flags: <defaults>
</compile_context>

<pallas_src>
import functools
import math

import jax
import jax.numpy as jnp
from jax import lax
from jax.experimental import pallas as pl
from jax.experimental.pallas import tpu as pltpu
from jax.experimental.pallas import tpu_sc as plsc

_TH2 = (0.75 * math.pi) ** 2
_K_SC = 4096


def _make_sc_kernel(K):
    info = plsc.get_sparse_core_info()
    NC, NS, L = info.num_cores, info.num_subcores, info.num_lanes
    NW = NC * NS
    tiles_per_w = K // NW
    CH = tiles_per_w
    mesh = plsc.VectorSubcoreMesh(core_axis_name="c", subcore_axis_name="s")

    @functools.partial(
        pl.kernel,
        out_type=jax.ShapeDtypeStruct((K * 128,), jnp.int32),
        mesh=mesh,
        scratch_types=[
            pltpu.VMEM((CH, 128), jnp.float32),
            pltpu.VMEM((CH, 128), jnp.float32),
            pltpu.VMEM((CH, 128), jnp.float32),
            pltpu.VMEM((CH * 128,), jnp.int32),
        ],
        compiler_params=pltpu.CompilerParams(needs_layout_passes=False),
    )
    def body(v_hbm, out_hbm, b0, b1, b2, obuf):
        wid = lax.axis_index("s") * NC + lax.axis_index("c")
        tc0 = wid * tiles_per_w
        pltpu.sync_copy(v_hbm.at[pl.ds(tc0, CH), 0, :], b0)
        pltpu.sync_copy(v_hbm.at[pl.ds(tc0, CH), 1, :], b1)
        pltpu.sync_copy(v_hbm.at[pl.ds(tc0, CH), 2, :], b2)

        @plsc.parallel_loop(0, CH * 8, unroll=8)
        def inner(i):
            j = i >> 3
            l0 = (i & 7) * L
            v0 = b0[j, pl.ds(l0, L)]
            v1 = b1[j, pl.ds(l0, L)]
            v2 = b2[j, pl.ds(l0, L)]
            s = v0 * v0 + v1 * v1 + v2 * v2
            obuf[pl.ds(i * L, L)] = (s > _TH2).astype(jnp.int32)

        pltpu.sync_copy(obuf, out_hbm.at[pl.ds(tc0 * 128, CH * 128)])

    return body


def _tc_body(v_hbm, o_ref, b0, b1, b2, sem):
    i = pl.program_id(0)
    blk = o_ref.shape[0]
    r0 = _K_SC + i * blk
    c0 = pltpu.make_async_copy(v_hbm.at[pl.ds(r0, blk), 0, :], b0, sem)
    c1 = pltpu.make_async_copy(v_hbm.at[pl.ds(r0, blk), 1, :], b1, sem)
    c2 = pltpu.make_async_copy(v_hbm.at[pl.ds(r0, blk), 2, :], b2, sem)
    c0.start()
    c1.start()
    c2.start()
    c0.wait()
    c1.wait()
    c2.wait()
    v0 = b0[...]
    v1 = b1[...]
    v2 = b2[...]
    s = v0 * v0 + v1 * v1 + v2 * v2
    o_ref[...] = s > _TH2


def kernel(t, xi):
    B, D = xi.shape
    NT = B // 128
    v = jnp.reshape(jnp.transpose(xi), (2, 8, NT, 128))
    v = jnp.transpose(v, (0, 2, 1, 3))
    v = jnp.reshape(v, (2 * NT, 8, 128))

    sc_i32 = _make_sc_kernel(_K_SC)(v)

    NTC = NT - _K_SC
    BLK = 1024
    tc_out = pl.pallas_call(
        _tc_body,
        grid=(NTC // BLK,),
        in_specs=[pl.BlockSpec(memory_space=pl.ANY)],
        out_specs=pl.BlockSpec((BLK, 128), lambda i: (_K_SC // BLK + i, 0)),
        out_shape=jax.ShapeDtypeStruct((NT, 128), jnp.bool_),
        scratch_shapes=[
            pltpu.VMEM((BLK, 128), jnp.float32),
            pltpu.VMEM((BLK, 128), jnp.float32),
            pltpu.VMEM((BLK, 128), jnp.float32),
            pltpu.SemaphoreType.DMA,
        ],
    )(v)

    return lax.dynamic_update_slice(
        jnp.reshape(tc_out, (B,)), sc_i32.astype(jnp.bool_), (0,)
    )

# --- scband reference (transcript-rebuilt; emitter-appended) ---
"""Pipeline reference for scband-chart-switch-24996709663357 (READ-ONLY COPY).

The authoritative reference and input builder live on the scoring server;
editing this copy changes nothing except your own understanding.
"""

import jax, jax.numpy as jnp
import numpy as np
import math


def setup_inputs(seed: int = 0) -> dict:
    key = jax.random.key(seed)
    k1, k2 = jax.random.split(key)
    B = 1048576
    D = 16
    t = jax.random.normal(k1, (B,), dtype=jnp.float32)
    xi = jax.random.normal(k2, (B, D), dtype=jnp.float32)
    return {"t": t, "xi": xi}


def reference(t, xi):
    # ChartSwitch.check_event: detect when the chart coordinate norm exceeds 3*pi/4
    qi = xi[..., :6]
    wi = qi[..., :3]
    # lie.dot(wi, wi) -> Euclidean inner product over last dim
    norm = jnp.sqrt(jnp.sum(wi * wi, axis=-1))
    ev = norm > (math.pi * 3.0 / 4.0)
    return ev

if __name__ == "__main__":
    import jax
    _d = setup_inputs()
    print(jax.jit(kernel)(*tuple(_d.values())))

</pallas_src>

<mosaic_0001>
#map = affine_map<(d0, d1) -> (0, 0, 0)>
#map1 = affine_map<(d0, d1) -> (0)>
module attributes {stable_mosaic.version = 14 : i64} {
  func.func @body(%arg0: i32, %arg1: i32, %arg2: memref<16384x8x128xf32, #tpu.memory_space<hbm>>, %arg3: memref<524288xi32, #tpu.memory_space<hbm>>, %arg4: memref<128x128xf32, #tpu.memory_space<vmem>>, %arg5: memref<128x128xf32, #tpu.memory_space<vmem>>, %arg6: memref<128x128xf32, #tpu.memory_space<vmem>>, %arg7: memref<16384xi32, #tpu.memory_space<vmem>>) attributes {dimension_semantics = [#tpu.dimension_semantics<core_parallel>, #tpu.dimension_semantics<subcore_parallel>], iteration_bounds = array<i64: 2, 16>, scalar_prefetch = 0 : i64, scratch_operands = 4 : i64, tpu.core_type = #tpu.core_type<sc_vector_subcore>, window_params = [{transform_indices = #map}, {transform_indices = #map1}]} {
    %mul3A = arith.constant 2 : i32
    %mul3A_0 = arith.muli %arg1, %mul3A : i32
    %add3A = arith.addi %mul3A_0, %arg0 : i32
    %mul3A_1 = arith.constant 128 : i32
    %mul3A_2 = arith.muli %add3A, %mul3A_1 : i32
    %run_scoped3A = arith.constant 0 : i32
    "tpu.region"() ({
      %run_scoped3A_9 = tpu.sem_alloc : memref<!tpu.dma_semaphore, #tpu.memory_space<semaphore_mem>>
      %dma_start3A = arith.constant 0 : i32
      %dma_start3A_10 = tpu.memref_slice %arg2[%mul3A_2, %run_scoped3A, %dma_start3A] : memref<16384x8x128xf32, #tpu.memory_space<hbm>> -> memref<128x1x128xf32, #tpu.memory_space<hbm>>
      %dma_start3A_11 = tpu.memref_squeeze %dma_start3A_10 : memref<128x1x128xf32, #tpu.memory_space<hbm>> -> memref<128x128xf32, #tpu.memory_space<hbm>>
      %dma_start3A_12 = arith.constant 0 : i32
      %dma_start3A_13 = tpu.memref_slice %arg2[%mul3A_2, %run_scoped3A, %dma_start3A_12] : memref<16384x8x128xf32, #tpu.memory_space<hbm>> -> memref<128x1x128xf32, #tpu.memory_space<hbm>>
      %dma_start3A_14 = tpu.memref_squeeze %dma_start3A_13 : memref<128x1x128xf32, #tpu.memory_space<hbm>> -> memref<128x128xf32, #tpu.memory_space<hbm>>
      tpu.enqueue_dma source(%dma_start3A_14 : memref<128x128xf32, #tpu.memory_space<hbm>>) target(%arg4 : memref<128x128xf32, #tpu.memory_space<vmem>>) target_semaphore(%run_scoped3A_9 : memref<!tpu.dma_semaphore, #tpu.memory_space<semaphore_mem>>)
      %dma_wait3A = arith.constant 0 : i32
      %dma_wait3A_15 = tpu.memref_slice %arg2[%mul3A_2, %run_scoped3A, %dma_wait3A] : memref<16384x8x128xf32, #tpu.memory_space<hbm>> -> memref<128x1x128xf32, #tpu.memory_space<hbm>>
      %dma_wait3A_16 = tpu.memref_squeeze %dma_wait3A_15 : memref<128x1x128xf32, #tpu.memory_space<hbm>> -> memref<128x128xf32, #tpu.memory_space<hbm>>
      %dma_wait3A_17 = arith.constant 0 : i32
      %dma_wait3A_18 = tpu.memref_slice %arg2[%mul3A_2, %run_scoped3A, %dma_wait3A_17] : memref<16384x8x128xf32, #tpu.memory_space<hbm>> -> memref<128x1x128xf32, #tpu.memory_space<hbm>>
      %dma_wait3A_19 = tpu.memref_squeeze %dma_wait3A_18 : memref<128x1x128xf32, #tpu.memory_space<hbm>> -> memref<128x128xf32, #tpu.memory_space<hbm>>
      tpu.wait_dma2 semaphore(%run_scoped3A_9 : memref<!tpu.dma_semaphore, #tpu.memory_space<semaphore_mem>>) src(%dma_wait3A_19 : memref<128x128xf32, #tpu.memory_space<hbm>>) dst(%arg4 : memref<128x128xf32, #tpu.memory_space<vmem>>)
      tpu.yield
    }) : () -> ()
    %run_scoped3A_3 = arith.constant 1 : i32
    "tpu.region"() ({
      %run_scoped3A_9 = tpu.sem_alloc : memref<!tpu.dma_semaphore, #tpu.memory_space<semaphore_mem>>
      %dma_start3A = arith.constant 0 : i32
      %dma_start3A_10 = tpu.memref_slice %arg2[%mul3A_2, %run_scoped3A_3, %dma_start3A] : memref<16384x8x128xf32, #tpu.memory_space<hbm>> -> memref<128x1x128xf32, #tpu.memory_space<hbm>>
      %dma_start3A_11 = tpu.memref_squeeze %dma_start3A_10 : memref<128x1x128xf32, #tpu.memory_space<hbm>> -> memref<128x128xf32, #tpu.memory_space<hbm>>
      %dma_start3A_12 = arith.constant 0 : i32
      %dma_start3A_13 = tpu.memref_slice %arg2[%mul3A_2, %run_scoped3A_3, %dma_start3A_12] : memref<16384x8x128xf32, #tpu.memory_space<hbm>> -> memref<128x1x128xf32, #tpu.memory_space<hbm>>
      %dma_start3A_14 = tpu.memref_squeeze %dma_start3A_13 : memref<128x1x128xf32, #tpu.memory_space<hbm>> -> memref<128x128xf32, #tpu.memory_space<hbm>>
      tpu.enqueue_dma source(%dma_start3A_14 : memref<128x128xf32, #tpu.memory_space<hbm>>) target(%arg5 : memref<128x128xf32, #tpu.memory_space<vmem>>) target_semaphore(%run_scoped3A_9 : memref<!tpu.dma_semaphore, #tpu.memory_space<semaphore_mem>>)
      %dma_wait3A = arith.constant 0 : i32
      %dma_wait3A_15 = tpu.memref_slice %arg2[%mul3A_2, %run_scoped3A_3, %dma_wait3A] : memref<16384x8x128xf32, #tpu.memory_space<hbm>> -> memref<128x1x128xf32, #tpu.memory_space<hbm>>
      %dma_wait3A_16 = tpu.memref_squeeze %dma_wait3A_15 : memref<128x1x128xf32, #tpu.memory_space<hbm>> -> memref<128x128xf32, #tpu.memory_space<hbm>>
      %dma_wait3A_17 = arith.constant 0 : i32
      %dma_wait3A_18 = tpu.memref_slice %arg2[%mul3A_2, %run_scoped3A_3, %dma_wait3A_17] : memref<16384x8x128xf32, #tpu.memory_space<hbm>> -> memref<128x1x128xf32, #tpu.memory_space<hbm>>
      %dma_wait3A_19 = tpu.memref_squeeze %dma_wait3A_18 : memref<128x1x128xf32, #tpu.memory_space<hbm>> -> memref<128x128xf32, #tpu.memory_space<hbm>>
      tpu.wait_dma2 semaphore(%run_scoped3A_9 : memref<!tpu.dma_semaphore, #tpu.memory_space<semaphore_mem>>) src(%dma_wait3A_19 : memref<128x128xf32, #tpu.memory_space<hbm>>) dst(%arg5 : memref<128x128xf32, #tpu.memory_space<vmem>>)
      tpu.yield
    }) : () -> ()
    %run_scoped3A_4 = arith.constant 2 : i32
    "tpu.region"() ({
      %run_scoped3A_9 = tpu.sem_alloc : memref<!tpu.dma_semaphore, #tpu.memory_space<semaphore_mem>>
      %dma_start3A = arith.constant 0 : i32
      %dma_start3A_10 = tpu.memref_slice %arg2[%mul3A_2, %run_scoped3A_4, %dma_start3A] : memref<16384x8x128xf32, #tpu.memory_space<hbm>> -> memref<128x1x128xf32, #tpu.memory_space<hbm>>
      %dma_start3A_11 = tpu.memref_squeeze %dma_start3A_10 : memref<128x1x128xf32, #tpu.memory_space<hbm>> -> memref<128x128xf32, #tpu.memory_space<hbm>>
      %dma_start3A_12 = arith.constant 0 : i32
      %dma_start3A_13 = tpu.memref_slice %arg2[%mul3A_2, %run_scoped3A_4, %dma_start3A_12] : memref<16384x8x128xf32, #tpu.memory_space<hbm>> -> memref<128x1x128xf32, #tpu.memory_space<hbm>>
      %dma_start3A_14 = tpu.memref_squeeze %dma_start3A_13 : memref<128x1x128xf32, #tpu.memory_space<hbm>> -> memref<128x128xf32, #tpu.memory_space<hbm>>
      tpu.enqueue_dma source(%dma_start3A_14 : memref<128x128xf32, #tpu.memory_space<hbm>>) target(%arg6 : memref<128x128xf32, #tpu.memory_space<vmem>>) target_semaphore(%run_scoped3A_9 : memref<!tpu.dma_semaphore, #tpu.memory_space<semaphore_mem>>)
      %dma_wait3A = arith.constant 0 : i32
      %dma_wait3A_15 = tpu.memref_slice %arg2[%mul3A_2, %run_scoped3A_4, %dma_wait3A] : memref<16384x8x128xf32, #tpu.memory_space<hbm>> -> memref<128x1x128xf32, #tpu.memory_space<hbm>>
      %dma_wait3A_16 = tpu.memref_squeeze %dma_wait3A_15 : memref<128x1x128xf32, #tpu.memory_space<hbm>> -> memref<128x128xf32, #tpu.memory_space<hbm>>
      %dma_wait3A_17 = arith.constant 0 : i32
      %dma_wait3A_18 = tpu.memref_slice %arg2[%mul3A_2, %run_scoped3A_4, %dma_wait3A_17] : memref<16384x8x128xf32, #tpu.memory_space<hbm>> -> memref<128x1x128xf32, #tpu.memory_space<hbm>>
      %dma_wait3A_19 = tpu.memref_squeeze %dma_wait3A_18 : memref<128x1x128xf32, #tpu.memory_space<hbm>> -> memref<128x128xf32, #tpu.memory_space<hbm>>
      tpu.wait_dma2 semaphore(%run_scoped3A_9 : memref<!tpu.dma_semaphore, #tpu.memory_space<semaphore_mem>>) src(%dma_wait3A_19 : memref<128x128xf32, #tpu.memory_space<hbm>>) dst(%arg6 : memref<128x128xf32, #tpu.memory_space<vmem>>)
      tpu.yield
    }) : () -> ()
    %parallel_loop3A = arith.constant 0 : i32
    %parallel_loop3A_5 = arith.constant 1024 : i32
    %parallel_loop3A_6 = arith.constant 1 : i32
    scf.for %parallel_loop3A_9 = %parallel_loop3A to %parallel_loop3A_5 step %parallel_loop3A_6  : i32 {
      %parallel_loop3A_10 = arith.constant 3 : i32
      %parallel_loop3A_11 = arith.shrsi %parallel_loop3A_9, %parallel_loop3A_10 : i32
      %parallel_loop3A_12 = arith.constant 7 : i32
      %parallel_loop3A_13 = arith.andi %parallel_loop3A_9, %parallel_loop3A_12 : i32
      %parallel_loop3A_14 = arith.constant 16 : i32
      %parallel_loop3A_15 = arith.muli %parallel_loop3A_13, %parallel_loop3A_14 : i32
      %parallel_loop3A_16 = arith.index_cast %parallel_loop3A_11 : i32 to index
      %parallel_loop3A_17 = arith.index_cast %parallel_loop3A_15 : i32 to index
      %parallel_loop3A_18 = tpu.vector_load %arg4[%parallel_loop3A_16, %parallel_loop3A_17] {strides = array<i32>} : memref<128x128xf32, #tpu.memory_space<vmem>>, vector<16xf32>,
      %parallel_loop3A_19 = arith.index_cast %parallel_loop3A_11 : i32 to index
      %parallel_loop3A_20 = arith.index_cast %parallel_loop3A_15 : i32 to index
      %parallel_loop3A_21 = tpu.vector_load %arg5[%parallel_loop3A_19, %parallel_loop3A_20] {strides = array<i32>} : memref<128x128xf32, #tpu.memory_space<vmem>>, vector<16xf32>,
      %parallel_loop3A_22 = arith.index_cast %parallel_loop3A_11 : i32 to index
      %parallel_loop3A_23 = arith.index_cast %parallel_loop3A_15 : i32 to index
      %parallel_loop3A_24 = tpu.vector_load %arg6[%parallel_loop3A_22, %parallel_loop3A_23] {strides = array<i32>} : memref<128x128xf32, #tpu.memory_space<vmem>>, vector<16xf32>,
      %parallel_loop3A_25 = arith.mulf %parallel_loop3A_18, %parallel_loop3A_18 : vector<16xf32>
      %parallel_loop3A_26 = arith.mulf %parallel_loop3A_21, %parallel_loop3A_21 : vector<16xf32>
      %parallel_loop3A_27 = arith.addf %parallel_loop3A_25, %parallel_loop3A_26 : vector<16xf32>
      %parallel_loop3A_28 = arith.mulf %parallel_loop3A_24, %parallel_loop3A_24 : vector<16xf32>
      %parallel_loop3A_29 = arith.addf %parallel_loop3A_27, %parallel_loop3A_28 : vector<16xf32>
      %parallel_loop3A_30 = arith.constant 5.55165243 : f32
      %parallel_loop3A_31 = vector.broadcast %parallel_loop3A_30 : f32 to vector<16xf32>
      %parallel_loop3A_32 = arith.cmpf ogt, %parallel_loop3A_29, %parallel_loop3A_31 : vector<16xf32>
      %parallel_loop3A_33 = arith.extui %parallel_loop3A_32 : vector<16xi1> to vector<16xi32>
      %parallel_loop3A_34 = arith.constant 16 : i32
      %parallel_loop3A_35 = arith.muli %parallel_loop3A_9, %parallel_loop3A_34 : i32
      %parallel_loop3A_36 = arith.index_cast %parallel_loop3A_35 : i32 to index
      %parallel_loop3A_37 = tpu.vector_load %arg7[%parallel_loop3A_36] {strides = array<i32>} : memref<16384xi32, #tpu.memory_space<vmem>>, vector<16xi32>,
      tpu.vector_store %arg7[%parallel_loop3A_36], %parallel_loop3A_33 {strides = array<i32>} : memref<16384xi32, #tpu.memory_space<vmem>>, vector<16xi32>,
    } {sc.loop_unroll_factor = 8 : i64, sc.parallel_access}
    %mul3A_7 = arith.constant 128 : i32
    %mul3A_8 = arith.muli %mul3A_2, %mul3A_7 : i32
    "tpu.region"() ({
      %run_scoped3A_9 = tpu.sem_alloc : memref<!tpu.dma_semaphore, #tpu.memory_space<semaphore_mem>>
      %dma_start3A = tpu.memref_slice %arg3[%mul3A_8] : memref<524288xi32, #tpu.memory_space<hbm>> -> memref<16384xi32, #tpu.memory_space<hbm>>
      %dma_start3A_10 = tpu.memref_slice %arg3[%mul3A_8] : memref<524288xi32, #tpu.memory_space<hbm>> -> memref<16384xi32, #tpu.memory_space<hbm>>
      tpu.enqueue_dma source(%arg7 : memref<16384xi32, #tpu.memory_space<vmem>>) target(%dma_start3A_10 : memref<16384xi32, #tpu.memory_space<hbm>>) target_semaphore(%run_scoped3A_9 : memref<!tpu.dma_semaphore, #tpu.memory_space<semaphore_mem>>)
      %dma_wait3A = tpu.memref_slice %arg3[%mul3A_8] : memref<524288xi32, #tpu.memory_space<hbm>> -> memref<16384xi32, #tpu.memory_space<hbm>>
      %dma_wait3A_11 = tpu.memref_slice %arg3[%mul3A_8] : memref<524288xi32, #tpu.memory_space<hbm>> -> memref<16384xi32, #tpu.memory_space<hbm>>
      tpu.wait_dma2 semaphore(%run_scoped3A_9 : memref<!tpu.dma_semaphore, #tpu.memory_space<semaphore_mem>>) src(%arg7 : memref<16384xi32, #tpu.memory_space<vmem>>) dst(%dma_wait3A_11 : memref<16384xi32, #tpu.memory_space<hbm>>)
      tpu.yield
    }) : () -> ()
    return
  }
}

module attributes {stable_mosaic.version = 14 : i64} {
  func.func @_tc_body(%arg0: i32, %arg1: memref<16384x8x128xf32, #tpu.memory_space<any>>, %arg2: memref<1024x128xi32, #tpu.memory_space<vmem>>, %arg3: memref<1024x128xf32, #tpu.memory_space<vmem>>, %arg4: memref<1024x128xf32, #tpu.memory_space<vmem>>, %arg5: memref<1024x128xf32, #tpu.memory_space<vmem>>, %arg6: memref<!tpu.dma_semaphore, #tpu.memory_space<semaphore_mem>>) attributes {dimension_semantics = [#tpu.dimension_semantics<arbitrary>], iteration_bounds = array<i64: 4>, scalar_prefetch = 0 : i64, scratch_operands = 4 : i64, tpu.core_type = #tpu.core_type<tc>, window_params = [{}, {transform_indices = @transform_1, window_bounds = array<i64: 1024, 128>}]} {
    %mul3A = arith.constant 1024 : i32
    %mul3A_0 = arith.muli %arg0, %mul3A : i32
    %add3A = arith.constant 4096 : i32
    %add3A_1 = arith.addi %add3A, %mul3A_0 : i32
    %dma_start3A = arith.constant 0 : i32
    %dma_start3A_2 = arith.constant 0 : i32
    %dma_start3A_3 = tpu.memref_slice %arg1[%add3A_1, %dma_start3A, %dma_start3A_2] : memref<16384x8x128xf32, #tpu.memory_space<any>> -> memref<1024x1x128xf32, #tpu.memory_space<any>>
    %dma_start3A_4 = tpu.memref_squeeze %dma_start3A_3 : memref<1024x1x128xf32, #tpu.memory_space<any>> -> memref<1024x128xf32, #tpu.memory_space<any>>
    tpu.enqueue_dma source(%dma_start3A_4 : memref<1024x128xf32, #tpu.memory_space<any>>) target(%arg3 : memref<1024x128xf32, #tpu.memory_space<vmem>>) target_semaphore(%arg6 : memref<!tpu.dma_semaphore, #tpu.memory_space<semaphore_mem>>)
    %dma_start3A_5 = arith.constant 1 : i32
    %dma_start3A_6 = arith.constant 0 : i32
    %dma_start3A_7 = tpu.memref_slice %arg1[%add3A_1, %dma_start3A_5, %dma_start3A_6] : memref<16384x8x128xf32, #tpu.memory_space<any>> -> memref<1024x1x128xf32, #tpu.memory_space<any>>
    %dma_start3A_8 = tpu.memref_squeeze %dma_start3A_7 : memref<1024x1x128xf32, #tpu.memory_space<any>> -> memref<1024x128xf32, #tpu.memory_space<any>>
    tpu.enqueue_dma source(%dma_start3A_8 : memref<1024x128xf32, #tpu.memory_space<any>>) target(%arg4 : memref<1024x128xf32, #tpu.memory_space<vmem>>) target_semaphore(%arg6 : memref<!tpu.dma_semaphore, #tpu.memory_space<semaphore_mem>>)
    %dma_start3A_9 = arith.constant 2 : i32
    %dma_start3A_10 = arith.constant 0 : i32
    %dma_start3A_11 = tpu.memref_slice %arg1[%add3A_1, %dma_start3A_9, %dma_start3A_10] : memref<16384x8x128xf32, #tpu.memory_space<any>> -> memref<1024x1x128xf32, #tpu.memory_space<any>>
    %dma_start3A_12 = tpu.memref_squeeze %dma_start3A_11 : memref<1024x1x128xf32, #tpu.memory_space<any>> -> memref<1024x128xf32, #tpu.memory_space<any>>
    tpu.enqueue_dma source(%dma_start3A_12 : memref<1024x128xf32, #tpu.memory_space<any>>) target(%arg5 : memref<1024x128xf32, #tpu.memory_space<vmem>>) target_semaphore(%arg6 : memref<!tpu.dma_semaphore, #tpu.memory_space<semaphore_mem>>)
    %dma_wait3A = arith.constant 0 : i32
    %dma_wait3A_13 = arith.constant 0 : i32
    %dma_wait3A_14 = tpu.memref_slice %arg1[%add3A_1, %dma_wait3A, %dma_wait3A_13] : memref<16384x8x128xf32, #tpu.memory_space<any>> -> memref<1024x1x128xf32, #tpu.memory_space<any>>
    %dma_wait3A_15 = tpu.memref_squeeze %dma_wait3A_14 : memref<1024x1x128xf32, #tpu.memory_space<any>> -> memref<1024x128xf32, #tpu.memory_space<any>>
    tpu.wait_dma2 semaphore(%arg6 : memref<!tpu.dma_semaphore, #tpu.memory_space<semaphore_mem>>) src(%dma_wait3A_15 : memref<1024x128xf32, #tpu.memory_space<any>>) dst(%arg3 : memref<1024x128xf32, #tpu.memory_space<vmem>>)
    %dma_wait3A_16 = arith.constant 1 : i32
    %dma_wait3A_17 = arith.constant 0 : i32
    %dma_wait3A_18 = tpu.memref_slice %arg1[%add3A_1, %dma_wait3A_16, %dma_wait3A_17] : memref<16384x8x128xf32, #tpu.memory_space<any>> -> memref<1024x1x128xf32, #tpu.memory_space<any>>
    %dma_wait3A_19 = tpu.memref_squeeze %dma_wait3A_18 : memref<1024x1x128xf32, #tpu.memory_space<any>> -> memref<1024x128xf32, #tpu.memory_space<any>>
    tpu.wait_dma2 semaphore(%arg6 : memref<!tpu.dma_semaphore, #tpu.memory_space<semaphore_mem>>) src(%dma_wait3A_19 : memref<1024x128xf32, #tpu.memory_space<any>>) dst(%arg4 : memref<1024x128xf32, #tpu.memory_space<vmem>>)
    %dma_wait3A_20 = arith.constant 2 : i32
    %dma_wait3A_21 = arith.constant 0 : i32
    %dma_wait3A_22 = tpu.memref_slice %arg1[%add3A_1, %dma_wait3A_20, %dma_wait3A_21] : memref<16384x8x128xf32, #tpu.memory_space<any>> -> memref<1024x1x128xf32, #tpu.memory_space<any>>
    %dma_wait3A_23 = tpu.memref_squeeze %dma_wait3A_22 : memref<1024x1x128xf32, #tpu.memory_space<any>> -> memref<1024x128xf32, #tpu.memory_space<any>>
    tpu.wait_dma2 semaphore(%arg6 : memref<!tpu.dma_semaphore, #tpu.memory_space<semaphore_mem>>) src(%dma_wait3A_23 : memref<1024x128xf32, #tpu.memory_space<any>>) dst(%arg5 : memref<1024x128xf32, #tpu.memory_space<vmem>>)
    %get3A = arith.constant 0 : index
    %get3A_24 = arith.constant 0 : index
    %get3A_25 = vector.load %arg3[%get3A, %get3A_24] : memref<1024x128xf32, #tpu.memory_space<vmem>>, vector<1024x128xf32>
    %get3A_26 = arith.constant 0 : index
    %get3A_27 = arith.constant 0 : index
    %get3A_28 = vector.load %arg4[%get3A_26, %get3A_27] : memref<1024x128xf32, #tpu.memory_space<vmem>>, vector<1024x128xf32>
    %get3A_29 = arith.constant 0 : index
    %get3A_30 = arith.constant 0 : index
    %get3A_31 = vector.load %arg5[%get3A_29, %get3A_30] : memref<1024x128xf32, #tpu.memory_space<vmem>>, vector<1024x128xf32>
    %mul3A_32 = arith.mulf %get3A_25, %get3A_25 : vector<1024x128xf32>
    %mul3A_33 = arith.mulf %get3A_28, %get3A_28 : vector<1024x128xf32>
    %add3A_34 = arith.addf %mul3A_32, %mul3A_33 : vector<1024x128xf32>
    %mul3A_35 = arith.mulf %get3A_31, %get3A_31 : vector<1024x128xf32>
    %add3A_36 = arith.addf %add3A_34, %mul3A_35 : vector<1024x128xf32>
    %gt3A = arith.constant 5.55165243 : f32
    %gt3A_37 = vector.broadcast %gt3A : f32 to vector<1024x128xf32>
    %gt3A_38 = arith.cmpf ogt, %add3A_36, %gt3A_37 : vector<1024x128xf32>
    %swap3A = arith.constant 0 : index
    %swap3A_39 = arith.constant 0 : index
    %swap3A_40 = vector.load %arg2[%swap3A, %swap3A_39] : memref<1024x128xi32, #tpu.memory_space<vmem>>, vector<1024x128xi32>
    %swap3A_41 = arith.extui %gt3A_38 : vector<1024x128xi1> to vector<1024x128xi32>
    %swap3A_42 = arith.constant dense<0> : vector<1024x128xi32>
    %swap3A_43 = arith.cmpi ne, %swap3A_40, %swap3A_42 : vector<1024x128xi32>
    tpu.vector_store %arg2[%swap3A, %swap3A_39], %swap3A_41 {strides = array<i32>} : memref<1024x128xi32, #tpu.memory_space<vmem>>, vector<1024x128xi32>,
    return
  }
  func.func @transform_1(%arg0: i32) -> (i32, i32) {
    %add3A = arith.constant 4 : i32
    %add3A_0 = arith.addi %add3A, %arg0 : i32
    %c0_i32 = arith.constant 0 : i32
    %c0_i32_1 = arith.constant 0 : i32
    return %add3A_0, %c0_i32 : i32, i32
  }
}

</mosaic_0001>

<sc_bundles>
// kernel: kernel.4.cloned.1.call-start
scs
__scs_entry_jumppad:
0x0: {  	(pc) =	sbr.rel $0x88, $3  }
0x1: {  	(tag) =	ssettag $0x0;
	lr =	simm.s32 $0x1  }
0x2: {  	[smem:$0x3FA0] =	sst lr;
	_ =	strace $0xD0000000  }
0x3: {  	_ = 	snop  }
0x4: {  	_ = 	snop  }
0x5: {  	_ = 	snop  }
0x6: {  	_ = 	snop  }
0x7: {  	_ = 	snop  }
__scs_overlays_trampoline_lowered:
0x8: {  	[smem:$0x3FAF] =	sst s0  }
0x9: {  	[smem:$0x3FB0] =	sst s1  }
0xa: {  	[smem:$0x3FB1] =	sst s2  }
0xb: {  	[smem:$0x3FB2] =	sst s3  }
0xc: {  	[smem:$0x3FB3] =	sst s4  }
0xd: {  	[smem:$0x3FB4] =	sst s5  }
0xe: {  	[smem:$0x3FB5] =	sst s6  }
0xf: {  	[smem:$0x3FB6] =	sst s7  }
0x10: {  	[smem:$0x3FB7] =	sst s8  }
0x11: {  	[smem:$0x3FB8] =	sst s9;
	s0 =	simm.s32 @!p0 $0x0  }
0x12: {  	s1 =	sld [smem:$0x3F9E];
	s0 =	simm.s32 @p0 $0x1  }
0x13: {  	[smem:$0x3FB9] =	sst s0;
	s0 =	simm.s32 @!p1 $0x0  }
0x14: {  	s2 =	sld [smem:$0x3F9D];
	s0 =	simm.s32 @p1 $0x1  }
0x15: {  	[smem:$0x3FBA] =	sst s0;
	s0 =	simm.s32 @!p2 $0x0  }
0x16: {  	s3 =	sld [smem:$0x3FDB];
	s0 =	simm.s32 @p2 $0x1  }
0x17: {  	s4 =	simm.s32 $0x1BF5;
	[smem:$0x3FBC] =	sst s0  }
0x18: {  	s0 =	sld [smem:$0x3F9F];
	_ =	swait.ge [sflag:s4], $0x0  }
0x19: {  	s7 =	sld [smem:$0x3FA0]  }
0x1a: {  	s8 =	sadd.s32 $0xFFFFE003, lr  }
0x1b: {  	s9 =	sadd.s32 $0xFFFFFEF7, lr;
	s5 =	simm.s32 $0xFFFFFFFF;
	p2 =	slt.u32 s8, $0xFFFFF086  }
0x1c: {  	p1 =	slt.u32 s9, $0xF7A;
	s5 =	simm.s32 @!p2 $0x0  }
0x1d: {  	s5 =	simm.s32 @p1 $0x1;
	p0 =	seq.s32 s7, s2  }
0x1e: {  	s7 =	smul.u32 @!p0 $0xF7A, s2;
	p2 =	seq.s32 @!p0 s5, $0x0  }
0x1f: {  	s9 =	smul.u32 $0xF7A, s1;
	s8 =	simm.s32 @!p0 $0x1BF5;
	p2 =	por !p2, p0  }
0x20: {  	[sflag:s8] =	ssyncset.s32 @!p0 $0xFFFFF086;
	s6 =	sadd.s32 @!p0 s3, s7;
	s7 =	simm.s32 @!p0 $0x108  }
0x21: {  	s3 =	sadd.s32 s3, s9;
	s6 =	sadd.s32 @!p0 $0x88, s6;
	s7 =	simm.s32 @p2 $0x1082  }
0x22: {  	[simem:s7], [sflag:s8] =	dma.local @!p0 [hbm:s6], $0xF7A  }
0x23: {  	s9 =	sor.u32 $0xD0000000, s2;
	s6 =	simm.s32 $0x108;
	_ =	swait.ge @!p0 [sflag:s8], $0x0  }
0x24: {  	s3 =	sadd.s32 $0x88, s3;
	s6 =	simm.s32 @!p1 $0x1082;
	[sflag:s4] =	ssyncset.s32 $0xFFFFF086  }
0x25: {  	[simem:s6], [sflag:s4] =	dma.local [hbm:s3], $0xF7A  }
0x26: {  	[smem:$0x3FA0] =	sst s1;
	(tag) =	ssettag s2;
	_ =	strace s9  }
0x27: {  	s1 =	sld [smem:$0x3FB0]  }
0x28: {  	s2 =	sld [smem:$0x3FB1]  }
0x29: {  	s4 =	sld [smem:$0x3FB3]  }
0x2a: {  	p0 =	seq.s32 s5, $0x0;
	s5 =	sld [smem:$0x3FB4]  }
0x2b: {  	s6 =	sld [smem:$0x3FB5]  }
0x2c: {  	s7 =	sld [smem:$0x3FB6]  }
0x2d: {  	s3 =	simm.s32 $0x108;
	s8 =	sld [smem:$0x3FB7]  }
0x2e: {  	s3 =	simm.s32 @!p0 $0x1082;
	s9 =	sld [smem:$0x3FB8]  }
0x2f: {  	lr =	sadd.s32 s0, s3;
	s0 =	sld [smem:$0x3FAF]  }
0x30: {  	s3 =	sld [smem:$0x3FB2]  }
0x31: {  	[smem:$0x3FBB] =	sst s10  }
0x32: {  	s10 =	sld [smem:$0x3FB9];
	_ =	sdelay $0x3  }
0x33: {  	p0 =	seq.s32 s10, $0x1;
	s10 =	sld [smem:$0x3FBB];
	_ =	sdelay $0x3  }
0x34: {  	[smem:$0x3FBB] =	sst s10  }
0x35: {  	s10 =	sld [smem:$0x3FBA];
	_ =	sdelay $0x3  }
0x36: {  	p1 =	seq.s32 s10, $0x1;
	s10 =	sld [smem:$0x3FBB];
	_ =	sdelay $0x3  }
0x37: {  	[smem:$0x3FBB] =	sst s10  }
0x38: {  	s10 =	sld [smem:$0x3FBC]  }
0x39: {  	_ = 	snop;
	(pc) =	sbr.ind lr, $3  }
0x3a: {  	_ = 	snop  }
0x3b: {  	_ = 	snop  }
0x3c: {  	p2 =	seq.s32 s10, $0x1;
	s10 =	sld [smem:$0x3FBB]  }
0x3d: {  	_ =	shalt  }
0x3e: {  	_ =	shalt  }
0x3f: {  	_ =	shalt  }
0x40: {  	_ =	shalt  }
0x41: {  	_ =	shalt  }
0x42: {  	_ =	shalt  }
0x43: {  	_ =	shalt  }
0x44: {  	_ =	shalt  }
0x45: {  	_ =	shalt  }
0x46: {  	_ =	shalt  }
0x47: {  	_ =	shalt  }
0x48: {  	_ =	shalt  }
0x49: {  	_ =	shalt  }
0x4a: {  	_ =	shalt  }
0x4b: {  	_ =	shalt  }
0x4c: {  	_ =	shalt  }
0x4d: {  	_ =	shalt  }
0x4e: {  	_ =	shalt  }
0x4f: {  	_ =	shalt  }
0x50: {  	_ =	shalt  }
0x51: {  	_ =	shalt  }
0x52: {  	_ =	shalt  }
0x53: {  	_ =	shalt  }
0x54: {  	_ =	shalt  }
0x55: {  	_ =	shalt  }
0x56: {  	_ =	shalt  }
0x57: {  	_ =	shalt  }
0x58: {  	_ =	shalt  }
0x59: {  	_ =	shalt  }
0x5a: {  	_ =	shalt  }
0x5b: {  	_ =	shalt  }
0x5c: {  	_ =	shalt  }
0x5d: {  	_ =	shalt  }
0x5e: {  	_ =	shalt  }
0x5f: {  	_ =	shalt  }
0x60: {  	_ =	shalt  }
0x61: {  	_ =	shalt  }
0x62: {  	_ =	shalt  }
0x63: {  	_ =	shalt  }
0x64: {  	_ =	shalt  }
0x65: {  	_ =	shalt  }
0x66: {  	_ =	shalt  }
0x67: {  	_ =	shalt  }
0x68: {  	_ =	shalt  }
0x69: {  	_ =	shalt  }
0x6a: {  	_ =	shalt  }
0x6b: {  	_ =	shalt  }
0x6c: {  	_ =	shalt  }
0x6d: {  	_ =	shalt  }
0x6e: {  	_ =	shalt  }
0x6f: {  	_ =	shalt  }
0x70: {  	_ =	shalt  }
0x71: {  	_ =	shalt  }
0x72: {  	_ =	shalt  }
0x73: {  	_ =	shalt  }
0x74: {  	_ =	shalt  }
0x75: {  	_ =	shalt  }
0x76: {  	_ =	shalt  }
0x77: {  	_ =	shalt  }
0x78: {  	_ =	shalt  }
0x79: {  	_ =	shalt  }
0x7a: {  	_ =	shalt  }
0x7b: {  	_ =	shalt  }
0x7c: {  	_ =	shalt  }
0x7d: {  	_ =	shalt  }
0x7e: {  	_ =	shalt  }
0x7f: {  	_ =	shalt  }
0x80: {  	_ =	shalt  }
0x81: {  	_ =	shalt  }
0x82: {  	_ =	shalt  }
0x83: {  	_ =	shalt  }
0x84: {  	_ =	shalt  }
0x85: {  	_ =	shalt  }
0x86: {  	_ =	shalt  }
0x87: {  	_ =	shalt  }
.Lfunc_end0:
.L_simem_size_0:
called_computation_lowered:
.L_overlay_start_0:
0x88: {  	s2 =	sld [smem:$0x3FD9]  }
0x89: {  	s3 =	sld [smem:$0x3FFE];
	_ =	sdelay $0x1  }
0x8a: {  	s1 =	srdreg.scid  }
0x8b: {  	s0 =	sand.u32 $0x1, s1  }
0x8c: {  	s17 =	sshll.u32 s0, $0xA;
	s2 =	sadd.s32 s3, s2  }
0x8d: {  	s2 =	sadd.s32 s2, s17  }
0x8e: {  	[smem:$0x3FC7] =	sst s2  }
0x8f: {  	_ = 	snop  }
0x90: {  	s2 =	sld [smem:$0x3FC9];
	(tm) =	ssettm $0x1  }
0x91: {  	s18 =	sld [smem:$0x3FFB];
	_ =	sdelay $0x3  }
0x92: {  	_ =	strace s18  }
0x93: {  	s3 =	sld [smem:$0x3FFC];
	_ =	sdelay $0x3  }
0x94: {  	_ =	strace s3  }
0x95: {  	s3 =	sld [smem:$0x3FFD];
	_ =	sdelay $0x3  }
0x96: {  	_ =	strace s3  }
0x97: {  	_ =	strace $0x8FFFFFFF  }
0x98: {  	s19 =	sld [smem:$0x3FDB];
	_ =	sdelay $0x1  }
0x99: {  	s4 =	simm.s32 $_scs_section_size  }
0x9a: {  	s5 =	simm.s32 $_size__tile_overlayer_lowered;
	s6 =	simm.s32 $_tile_overlayer_lowered  }
0x9b: {  	s22 =	simm.s32 $0x1BFF;
	s21 =	sshll.u32 s6, $0x1;
	s3 =	sadd.s32 s4, s19  }
0x9c: {  	s7 =	simm.s32 $0x0;
	s20 =	sshll.u32 s5, $0x1;
	s5 =	sadd.s32 s21, s3  }
0x9d: {  	[timem:s7], [sflag:s22] =	dma.local [hbm:s5], s20  }
0x9e: {  	_ =	swait.ge [sflag:s22], s20  }
0x9f: {  	s4 =	ssub.s32 $0x0, s20;
	[sflag:s22] =	ssyncset.done $0x0  }
0xa0: {  	[sflag:s22] =	ssyncadd.s32 s4;
	_ =	sdelay $0x1  }
0xa1: {  	s23 =	simm.s32 $0x1B8B  }
0xa2: {  	_ =	swait.ge [sflag:s23], $0x1  }
0xa3: {  	[sflag:s23] =	ssyncset.done $0x0  }
0xa4: {  	s25 =	simm.s32 $0x1B8E;
	s24 =	sld [smem:$0x3FFE];
	[sflag:s23] =	ssyncadd.s32 $0xFFFFFFFF  }
0xa5: {  	s26 =	simm.s32 $execute0_lowered;
	[smem:$0x3FD2] =	sst s25  }
0xa6: {  	s5 =	sshll.u32 s26, $0x1;
	_ =	strace $0x80000046;
	[dreg:$0x1] =	wrdreg $0xFFFFFFFF  }
0xa7: {  	s28 =	simm.s32 $_size_execute0_lowered;
	s3 =	sadd.s32 s3, s5;
	[dreg:$0x0] =	wrdreg $0x0  }
0xa8: {  	s5 =	sshll.u32 s28, $0x1;
	[dreg:$0x2] =	wrdreg s3  }
0xa9: {  	[dreg:$0x3] =	wrdreg s5  }
0xaa: {  	[dreg:$0x4] =	wrdreg $0xC0  }
0xab: {  	_ =	task [dreg:s7], $0x5FFFF  }
0xac: {  	[dreg:$0x1] =	wrdreg $0xFFFFFFFF  }
0xad: {  	[dreg:$0x0] =	wrdreg $0x60  }
0xae: {  	[dreg:$0x2] =	wrdreg s2  }
0xaf: {  	[dreg:$0x3] =	wrdreg s24  }
0xb0: {  	[dreg:$0x4] =	wrdreg $0x9  }
0xb1: {  	_ =	task.clear_ibuf [dreg:s7], $0x5FFFF;
	_ =	strace $0x90000046  }
0xb2: {  	s29 =	simm.s32 $0x9;
	_ =	strace $0x80000048  }
0xb3: {  	_ =	swait.ge [sflag:s29], $0x1  }
0xb4: {  	[sflag:s29] =	ssyncadd.s32 $0xFFFFFFFF  }
0xb5: {  	_ =	strace $0x90000048  }
0xb6: {  	_ =	sfence  }
0xb7: {  	s30 =	sld [smem:$0x0];
	_ =	sdelay $0x2  }
0xb8: {  	s31 =	sshll.u32 s1, $0xD;
	s1 =	sshrl.u32 s1, $0x2  }
0xb9: {  	s3 =	sand.u32 $0x4000, s31;
	s1 =	sadd.s32 s1, s30  }
0xba: {  	s0 =	sor.u32 s3, s0;
	s1 =	sshll.u32 s1, $0x11  }
0xbb: {  	s0 =	sor.u32 s1, s0  }
0xbc: {  	s0 =	sadd.s32 $0x8F2B, s0  }
0xbd: {  	[sflag:s0] =	ssyncadd.remote.s32 $0x1  }
0xbe: {  	_ =	sfence.sel $0xFFFF  }
0xbf: {  	[dreg:$0x0] =	wrdreg $0xFFFFFFFF;
	(pc) =	sbr.abs _section_cstart, $3  }
0xc0: {  	[dreg:$0x1] =	wrdreg $0xFFFFFFFF  }
0xc1: {  	_ =	task.clear_ibuf [dreg:s7], $0x2FFFF;
	_ =	strace $0x9FFFFFFF  }
0xc2: {  	(tm) =	ssettm $0x7FFFFFFF  }
0xc3: {  	_ =	shalt  }
tec
execute0_lowered:
.L_overlay_start_1:
0x0: {  	(tag) =	ssettag $0x1  }
0x1: {  	s3 =	rddreg [dreg:$0x0]  }
0x2: {  	s4 =	rddreg [dreg:$0x1]  }
0x3: {  	s0 =	rddreg [dreg:$0x2];
	s2 =	simm.s32 $0x0;
	s5 =	srdreg.scid  }
0x4: {  	s1 =	stileid.u32;
	s9 =	simm.s32 $0x400;
	s10 =	simm.s32 $0x1  }
0x5: {  	s11 =	simm.s32 $0x4000;
	s12 =	simm.s32 $0x8000;
	s13 =	simm.s32 $0xC000  }
0x6: {  	[smem:$0x7FF] =	sst s2;
	s5 =	sand.u32 $0x1, s5;
	s6 =	sshll.u32 s1, $0x1  }
0x7: {  	s14 =	simm.s32 $0x0;
	_ =	strace $0x80000047;
	s6 =	sor.u32 s5, s6  }
0x8: {  	s5 =	ssub.s32 $0x2, s5;
	s7 =	sshll.u32 s6, $0xB;
	s6 =	sshll.u32 s6, $0xE  }
0x9: {  	s31 =	sshrl.u32 s5, $0x1;
	s7 =	sadd.s32 s7, s4;
	s3 =	sadd.s32 s3, s6  }
0xa: {  	s8 =	ssub.s32 s5, s31;
	s4 =	sadd.s32 $0x10, s3;
	s5 =	sadd.s32 $0x20, s3  }
0xb: {  	v0 =	vimm.s32 $0x0;
	s6 =	sadd.s32 $0x400, s7;
	s7 =	smax.u32 s8, $0x1;
	s8 =	simm.s32 $0x80  }
.LBB2_1:
0xc: {  	[tilespmem:s2], [sflag:$0x1] =	stream.strided.gather [hbm4b:s3+s8], $0x4000, s9, s8, $0x38;
	[tilespmem:$0x10000] =	vst v63  }
0xd: {  	_ =	swait.ge [sflag:s10], $0x4000  }
0xe: {  	[sflag:s10] =	ssyncset.done $0x0  }
0xf: {  	[sflag:s10] =	ssyncadd.s32 $0xFFFFC000  }
0x10: {  	[tilespmem:s11], [sflag:$0x1] =	stream.strided.gather [hbm4b:s4+s8], $0x4000, s9, s8, $0x38;
	[tilespmem:$0x10000] =	vst v63  }
0x11: {  	_ =	swait.ge [sflag:s10], $0x4000  }
0x12: {  	[sflag:s10] =	ssyncset.done $0x0  }
0x13: {  	[sflag:s10] =	ssyncadd.s32 $0xFFFFC000  }
0x14: {  	[tilespmem:s12], [sflag:$0x1] =	stream.strided.gather [hbm4b:s5+s8], $0x4000, s9, s8, $0x38;
	[tilespmem:$0x10000] =	vst v63  }
0x15: {  	_ =	swait.ge [sflag:s10], $0x4000  }
0x16: {  	[sflag:s10] =	ssyncset.done $0x0  }
0x17: {  	s17 =	simm.s32 $0x40;
	[sflag:s10] =	ssyncadd.s32 $0xFFFFC000  }
0x18: {  	s15 =	simm.s32 $0x4040;
	v1 =	vld [tilespmem:s17+$0x30]  }
0x19: {  	v2 =	vld [tilespmem:s15+$0x30]  }
0x1a: {  	s16 =	simm.s32 $0x8040;
	v3 =	vld [tilespmem:s15+$0xFFFFFFC0]  }
0x1b: {  	v4 =	vld [tilespmem:s16+$0x30]  }
0x1c: {  	v5 =	vld [tilespmem:s17+$0xFFFFFFD0]  }
0x1d: {  	v6 =	vld [tilespmem:s15+$0xFFFFFFD0]  }
0x1e: {  	v7 =	vld [tilespmem:s17+$0xFFFFFFE0]  }
0x1f: {  	v8 =	vld [tilespmem:s15+$0xFFFFFFE0]  }
0x20: {  	v9 =	vld [tilespmem:s17+$0xFFFFFFF0]  }
0x21: {  	v10 =	vld [tilespmem:s15+$0xFFFFFFF0]  }
0x22: {  	v11 =	vld [tilespmem:s17+$0x0]  }
0x23: {  	v12 =	vld [tilespmem:s15+$0x0]  }
0x24: {  	v13 =	vld [tilespmem:s17+$0x10];
	v1 =	vmul.f32 v1, v1;
	v2 =	vmul.f32 v2, v2  }
0x25: {  	v14 =	vld [tilespmem:s15+$0x10]  }
0x26: {  	v15 =	vld [tilespmem:s15+$0x20];
	v1 =	vadd.f32 v2, v1;
	v2 =	vmul.f32 v4, v4  }
0x27: {  	v17 =	vld [tilespmem:s17+$0xFFFFFFC0];
	v5 =	vmul.f32 v5, v5;
	v6 =	vmul.f32 v6, v6  }
0x28: {  	v16 =	vmul.f32 v3, v3;
	v3 =	vmul.f32 v7, v7;
	v4 =	vld [tilespmem:s17+$0x20];
	v2 =	vadd.f32 v2, v1  }
0x29: {  	v7 =	vmul.f32 v10, v10;
	v1 =	vadd.f32 v6, v5;
	v5 =	vmul.f32 v8, v8;
	v8 =	vld [tilespmem:s16+$0xFFFFFFC0]  }
0x2a: {  	v6 =	vmul.f32 v9, v9;
	v9 =	vmul.f32 v11, v11;
	v11 =	vld [tilespmem:s16+$0xFFFFFFD0];
	vm0 =	vgt.f32 v2, $5.551652430e+00  }
0x2b: {  	v10 =	vld [tilespmem:s16+$0xFFFFFFE0];
	v2 =	vadd.f32 v5, v3;
	v5 =	vmul.f32 v12, v12;
	v12 =	vmul.f32 v13, v13  }
0x2c: {  	v3 =	vadd.f32 v7, v6;
	v6 =	vmul.f32 v14, v14;
	v7 =	vld [tilespmem:s16+$0xFFFFFFF0];
	v14 =	vmul.f32 v15, v15  }
0x2d: {  	v15 =	vmul.f32 v17, v17;
	v13 =	vmul.f32 v4, v4;
	v4 =	vadd.f32 v5, v9;
	v9 =	vld [tilespmem:s16+$0x0]  }
0x2e: {  	s17 =	simm.s32 $0xC040;
	v63 =	vsel vm0, $0x1, v0;
	v5 =	vadd.f32 v6, v12;
	v12 =	vmul.f32 v8, v8;
	v8 =	vld [tilespmem:s16+$0x10]  }
0x2f: {  	s19 =	simm.s32 $0x0;
	s20 =	simm.s32 $0xC0;
	s18 =	simm.s32 $0xC040;
	[tilespmem:s17+$0x30] =	vst v63;
	v6 =	vadd.f32 v14, v13;
	v14 =	vadd.f32 v16, v15;
	v13 =	vmul.f32 v11, v11;
	v11 =	vld [tilespmem:s16+$0x20]  }
.LBB2_2:
0x30: {  	v15 =	vld [tilespmem:s20+$0x30];
	v10 =	vmul.f32 v10, v10;
	s15 =	sadd.s32 $0x80, s15  }
0x31: {  	s19 =	sadd.s32 $0x8, s19;
	v16 =	vld [tilespmem:s15+$0x30];
	v12 =	vadd.f32 v12, v14;
	v1 =	vadd.f32 v13, v1;
	v7 =	vmul.f32 v7, v7  }
0x32: {  	s16 =	sadd.s32 $0x80, s16;
	p0 =	slt.u32 s19, $0x3F8;
	v13 =	vld [tilespmem:s15+$0xFFFFFFC0];
	v2 =	vadd.f32 v10, v2;
	v9 =	vmul.f32 v9, v9  }
0x33: {  	v10 =	vld [tilespmem:s16+$0x30];
	vm2 =	vgt.f32 v12, $5.551652430e+00;
	v3 =	vadd.f32 v7, v3;
	v7 =	vmul.f32 v8, v8  }
0x34: {  	vm3 =	vgt.f32 v1, $5.551652430e+00;
	v8 =	vld [tilespmem:s20+$0xFFFFFFD0];
	v1 =	vadd.f32 v9, v4;
	v4 =	vmul.f32 v11, v11  }
0x35: {  	vm4 =	vgt.f32 v2, $5.551652430e+00;
	v9 =	vld [tilespmem:s15+$0xFFFFFFD0];
	vm5 =	vgt.f32 v3, $5.551652430e+00;
	v2 =	vadd.f32 v7, v5  }
0x36: {  	v5 =	vmul.f32 v15, v15;
	v3 =	vld [tilespmem:s20+$0xFFFFFFE0];
	v7 =	vmul.f32 v16, v16;
	v4 =	vadd.f32 v4, v6  }
0x37: {  	vm6 =	vgt.f32 v1, $5.551652430e+00;
	v11 =	vmul.f32 v13, v13;
	v6 =	vld [tilespmem:s15+$0xFFFFFFE0];
	vm1 =	vgt.f32 v2, $5.551652430e+00  }
0x38: {  	v2 =	vld [tilespmem:s20+$0xFFFFFFF0];
	v1 =	vadd.f32 v7, v5;
	v5 =	vmul.f32 v10, v10;
	vm0 =	vgt.f32 v4, $5.551652430e+00  }
0x39: {  	v10 =	vsel vm3, $0x1, v0;
	v4 =	vmul.f32 v8, v8;
	v7 =	vld [tilespmem:s15+$0xFFFFFFF0];
	v8 =	vsel vm2, $0x1, v0  }
0x3a: {  	v9 =	vmul.f32 v9, v9;
	v12 =	vld [tilespmem:s20+$0x0];
	v5 =	vadd.f32 v5, v1;
	[tilespmem:s17+$0xFFFFFFC0] =	vst v8;
	v8 =	vsel vm4, $0x1, v0  }
0x3b: {  	v14 =	vsel vm6, $0x1, v0;
	v3 =	vmul.f32 v3, v3;
	v13 =	vld [tilespmem:s15+$0x0];
	[tilespmem:s17+$0xFFFFFFD0] =	vst v10;
	v10 =	vsel vm5, $0x1, v0  }
0x3c: {  	v1 =	vadd.f32 v9, v4;
	v4 =	vmul.f32 v6, v6;
	v6 =	vld [tilespmem:s20+$0x10];
	vm2 =	vgt.f32 v5, $5.551652430e+00;
	[tilespmem:s17+$0xFFFFFFE0] =	vst v8  }
0x3d: {  	s17 =	sadd.s32 $0x80, s17;
	v5 =	vmul.f32 v2, v2;
	v8 =	vld [tilespmem:s15+$0x10];
	v9 =	vsel vm2, $0x1, v0;
	[tilespmem:s18+$0xFFFFFFF0] =	vst v10;
	v10 =	vsel vm1, $0x1, v0  }
0x3e: {  	v2 =	vadd.f32 v4, v3;
	v3 =	vmul.f32 v7, v7;
	v7 =	vld [tilespmem:s20+$0x20];
	[tilespmem:s17+$0x30] =	vst v9;
	v4 =	vsel vm0, $0x1, v0  }
0x3f: {  	v9 =	vmul.f32 v12, v12;
	v12 =	vld [tilespmem:s15+$0x20];
	[tilespmem:s18+$0x0] =	vst v14  }
0x40: {  	v14 =	vld [tilespmem:s20+$0xFFFFFFC0];
	v3 =	vadd.f32 v3, v5;
	v5 =	vmul.f32 v13, v13;
	[tilespmem:s18+$0x10] =	vst v10  }
0x41: {  	v13 =	vld [tilespmem:s16+$0xFFFFFFC0];
	v6 =	vmul.f32 v6, v6;
	[tilespmem:s18+$0x20] =	vst v4;
	s18 =	smov.u32 s17  }
0x42: {  	v15 =	vld [tilespmem:s16+$0xFFFFFFD0];
	v4 =	vadd.f32 v5, v9;
	v5 =	vmul.f32 v8, v8  }
.Ltmp0:
0x43: {  	v10 =	vld [tilespmem:s16+$0xFFFFFFE0];
	v16 =	vmul.f32 v7, v7;
	(pc) =	sbr.rel @p0 .LBB2_2-.Ltmp0, $4  }
0x44: {  	v7 =	vld [tilespmem:s16+$0xFFFFFFF0];
	v5 =	vadd.f32 v5, v6;
	v6 =	vmul.f32 v12, v12  }
0x45: {  	v14 =	vmul.f32 v14, v14;
	v9 =	vld [tilespmem:s16+$0x0]  }
0x46: {  	v12 =	vmul.f32 v13, v13;
	v8 =	vld [tilespmem:s16+$0x10];
	v6 =	vadd.f32 v6, v16  }
0x47: {  	s20 =	sadd.s32 $0x80, s20;
	v14 =	vadd.f32 v11, v14;
	v13 =	vmul.f32 v15, v15;
	v11 =	vld [tilespmem:s16+$0x20]  }
0x48: {  	v10 =	vmul.f32 v10, v10  }
0x49: {  	v12 =	vadd.f32 v12, v14;
	v7 =	vmul.f32 v7, v7  }
0x4a: {  	v1 =	vadd.f32 v13, v1;
	v2 =	vadd.f32 v10, v2;
	v9 =	vmul.f32 v9, v9  }
0x4b: {  	vm0 =	vgt.f32 v12, $5.551652430e+00;
	v3 =	vadd.f32 v7, v3;
	v60 =	vmul.f32 v8, v8  }
0x4c: {  	vm1 =	vgt.f32 v1, $5.551652430e+00;
	v1 =	vadd.f32 v9, v4;
	v61 =	vsel vm0, $0x1, v0  }
0x4d: {  	v62 =	vmul.f32 v11, v11;
	vm11 =	vgt.f32 v2, $5.551652430e+00;
	v2 =	vsel vm1, $0x1, v0;
	[tilespmem:s17+$0xFFFFFFC0] =	vst v61  }
0x4e: {  	vm12 =	vgt.f32 v3, $5.551652430e+00;
	v3 =	vadd.f32 v60, v5;
	v63 =	vsel vm11, $0x1, v0;
	[tilespmem:s17+$0xFFFFFFD0] =	vst v2  }
0x4f: {  	v2 =	vadd.f32 v62, v6;
	vm13 =	vgt.f32 v1, $5.551652430e+00;
	v1 =	vsel vm12, $0x1, v0;
	[tilespmem:s17+$0xFFFFFFE0] =	vst v63  }
0x50: {  	vm14 =	vgt.f32 v3, $5.551652430e+00;
	v3 =	vsel vm13, $0x1, v0;
	[tilespmem:s18+$0xFFFFFFF0] =	vst v1  }
0x51: {  	s14 =	sadd.s32 $0x1, s14;
	vm15 =	vgt.f32 v2, $5.551652430e+00;
	v1 =	vsel vm14, $0x1, v0;
	[tilespmem:s18+$0x0] =	vst v3  }
0x52: {  	p0 =	sne.s32 s14, s7;
	v2 =	vsel vm15, $0x1, v0;
	[tilespmem:s18+$0x10] =	vst v1  }
.Ltmp1:
0x53: {  	[tilespmem:s18+$0x20] =	vst v2;
	(pc) =	sbr.rel @p0 .LBB2_1-.Ltmp1, $4  }
0x54: {  	[hbm4b:s6+s2] =	stream.linear.scatter [tilespmem:s13], [sflag:$0x1], $0x4000, $0x38;
	[tilespmem:$0x10000] =	vst v63  }
0x55: {  	_ =	swait.ge [sflag:s10], $0x4000  }
0x56: {  	[sflag:s10] =	ssyncset.done $0x0  }
0x57: {  	[sflag:s10] =	ssyncadd.s32 $0xFFFFC000  }
0x58: {  	_ =	sfence.sel $0x180000  }
0x59: {  	[bflag:$0x0] =	sbarrier.arrive $0xFFFF  }
0x5a: {  	p0 =	sne.s32 s1, $0x0;
	_ =	strace $0x90000047  }
0x5b: {  	s0 =	sadd.s32 @!p0 $0x100000, s0;
	[bflag:$0x2] =	sbarrier.arrive $0xFFFF  }
0x5c: {  	[sflag:s0] =	ssyncadd.tile.s32 @!p0 $0x1;
	_ =	shalt  }
.Lfunc_end2:
_tile_overlayer_lowered:
.L_overlay_start_2:
0x5d: {  	(tag) =	ssettag $0x2  }
0x5e: {  	s0 =	rddreg [dreg:$0x0];
	s2 =	stileid.u32  }
0x5f: {  	s1 =	rddreg [dreg:$0x1];
	p0 =	sne.s32 s2, $0x0  }
0x60: {  	s3 =	rddreg [dreg:$0x2];
	[bflag:$0x3] =	sbarrier.arrive $0xFFFF;
	s2 =	simm.s32 @!p0 $0x1C01  }
0x61: {  	[timem:s3], [sflag:s2] =	dma.local @!p0 [hbm:s0], s1  }
0x62: {  	s0 =	simm.s32 @!p0 $0x1  }
0x63: {  	_ =	swait.ge @!p0 [sflag:s0], s1  }
0x64: {  	s1 =	ssub.s32 @!p0 $0x0, s1;
	[sflag:s0] =	ssyncset.done @!p0 $0x0  }
0x65: {  	[sflag:s0] =	ssyncadd.s32 @!p0 s1  }
0x66: {  	[bflag:$0x3] =	sbarrier.arrive $0xFFFF  }
0x67: {  	_ =	shalt  }

</sc_bundles>
